<compile_context>
chip_gen: v7x
topology: tpu7x:2x2x1
jax: 0.10.2.dev20260603
libtpu: 0.0.44.dev20260713+nightly
codegen_flags: <defaults>
</compile_context>

<pallas_src>
import jax
import jax.numpy as jnp
from jax import lax
from jax.experimental import pallas as pl
from jax.experimental.pallas import tpu as pltpu
from jax.experimental.pallas import tpu_sc as plsc

_N = 201
_PAD = 416
_WIN = 224
_NCHUNK = 13


def _dilate_body(pad_hbm, out_hbm, win_v, scale_v, sem_w, sem_s):
    wid = lax.axis_index("s")

    @pl.when(wid < _NCHUNK)
    def _():
        j0 = wid * 16
        cp_win = pltpu.async_copy(pad_hbm.at[pl.ds(j0, _WIN)], win_v, sem_w)
        cp_scale = pltpu.async_copy(pad_hbm.at[pl.ds(_PAD, 16)], scale_v,
                                    sem_s)

        cp_scale.wait()
        neg_inv4 = jnp.float32(-0.25) / scale_v[...]
        fiota = lax.iota(jnp.int32, 16).astype(jnp.float32)
        cp_win.wait()

        def hchunk(base_f):
            z = (fiota + base_f) * jnp.float32(0.995) - jnp.float32(99.0)
            return (z * z) * neg_inv4

        @plsc.parallel_loop(0, _NCHUNK - 1, 1, unroll=4,
                            carry=jnp.full((16,), -jnp.inf, dtype=jnp.float32))
        def acc(b, a):
            hv = hchunk(jnp.float32(16.0) * b.astype(jnp.float32))
            base = 16 * b
            for t in range(16):
                seg = win_v[pl.ds(base + t, 16)]
                a = jnp.maximum(a, seg + hv[t])
            return a
        hv = hchunk(jnp.float32(192.0))
        for t in range(_N - 192):
            seg = win_v[pl.ds(192 + t, 16)]
            acc = jnp.maximum(acc, seg + hv[t])
        scale_v[...] = acc
        pltpu.sync_copy(scale_v, out_hbm.at[pl.ds(j0, 16)])


_dilate = pl.kernel(
    _dilate_body,
    out_type=jax.ShapeDtypeStruct((_NCHUNK * 16,), jnp.float32),
    mesh=plsc.VectorSubcoreMesh(core_axis_name="c", subcore_axis_name="s",
                                num_cores=1),
    scratch_types=[
        pltpu.VMEM((_WIN,), jnp.float32),
        pltpu.VMEM((16,), jnp.float32),
        pltpu.SemaphoreType.DMA,
        pltpu.SemaphoreType.DMA,
    ],
)


@jax.jit
def kernel(input, scale):
    buf = jnp.full((_PAD + 16,), -jnp.inf, dtype=jnp.float32)
    buf = lax.dynamic_update_slice(buf, input.astype(jnp.float32), (100,))
    buf = lax.dynamic_update_slice(
        buf, jnp.broadcast_to(scale.astype(jnp.float32), (16,)), (_PAD,))
    out = _dilate(buf)
    return out[:_N]

# --- scband reference (transcript-rebuilt; emitter-appended) ---
"""Pipeline reference for scband-dilation1-d-9474697855598 (READ-ONLY COPY).

The authoritative reference and input builder live on the scoring server;
editing this copy changes nothing except your own understanding.
"""

import jax, jax.numpy as jnp
import numpy as np

k_size = 201

def setup_inputs(seed: int = 0) -> dict:
    key = jax.random.key(seed)
    inp = jax.random.normal(key, (k_size,), dtype=jnp.float32)
    scale = jnp.asarray(1.5, dtype=jnp.float32)
    return {"input": inp, "scale": scale}

def reference(input, scale):
    # structuring element: h[i] = -z_i^2 / (4*scale), z_i in [-100, 100]
    z_i = jnp.linspace(-(k_size // 2) + 1, k_size // 2, k_size, dtype=jnp.float32)
    z = z_i ** 2
    h = -z / (4.0 * scale)
    n = input.shape[0]
    offset = n // 2
    # torch loop: for x in -100..100, shifted[i] = input[i + x] (with -inf padding),
    # out[x + offset] = max_i(shifted[i] + h[i]).
    # Equivalently out[j] = max_i(input[i + j - offset] + h[i]).
    i_idx = jnp.arange(k_size)
    j_idx = jnp.arange(k_size)
    idx = i_idx[None, :] + j_idx[:, None] - offset  # [201, 201]
    valid = (idx >= 0) & (idx < n)
    gathered = jnp.where(valid, input[jnp.clip(idx, 0, n - 1)], -jnp.inf)
    tmp = gathered + h[None, :]
    out = jnp.max(tmp, axis=1)
    return out

if __name__ == "__main__":
    import jax
    _d = setup_inputs()
    print(jax.jit(kernel)(*tuple(_d.values())))

</pallas_src>

<mosaic_0001>
#map = affine_map<(d0, d1) -> (0)>
module attributes {stable_mosaic.version = 14 : i64} {
  func.func @_dilate_body(%arg0: i32, %arg1: i32, %arg2: memref<432xf32, #tpu.memory_space<hbm>>, %arg3: memref<208xf32, #tpu.memory_space<hbm>>, %arg4: memref<224xf32, #tpu.memory_space<vmem>>, %arg5: memref<16xf32, #tpu.memory_space<vmem>>, %arg6: memref<!tpu.dma_semaphore, #tpu.memory_space<semaphore_mem>>, %arg7: memref<!tpu.dma_semaphore, #tpu.memory_space<semaphore_mem>>) attributes {dimension_semantics = [#tpu.dimension_semantics<core_parallel>, #tpu.dimension_semantics<subcore_parallel>], iteration_bounds = array<i64: 1, 16>, scalar_prefetch = 0 : i64, scratch_operands = 4 : i64, tpu.core_type = #tpu.core_type<sc_vector_subcore>, window_params = [{transform_indices = #map}, {transform_indices = #map}]} {
    %lt3A = arith.constant 13 : i32
    %lt3A_0 = arith.cmpi slt, %arg1, %lt3A : i32
    %convert_element_type3A = arith.extui %lt3A_0 : i1 to i32
    %cond3A = arith.constant 0 : i32
    %cond3A_1 = arith.cmpi ne, %convert_element_type3A, %cond3A : i32
    scf.if %cond3A_1 {
      %mul3A = arith.constant 16 : i32
      %mul3A_2 = arith.muli %arg1, %mul3A : i32
      %dma_start3A = tpu.memref_slice %arg2[%mul3A_2] : memref<432xf32, #tpu.memory_space<hbm>> -> memref<224xf32, #tpu.memory_space<hbm>>
      %dma_start3A_3 = tpu.memref_slice %arg2[%mul3A_2] : memref<432xf32, #tpu.memory_space<hbm>> -> memref<224xf32, #tpu.memory_space<hbm>>
      tpu.enqueue_dma source(%dma_start3A_3 : memref<224xf32, #tpu.memory_space<hbm>>) target(%arg4 : memref<224xf32, #tpu.memory_space<vmem>>) target_semaphore(%arg6 : memref<!tpu.dma_semaphore, #tpu.memory_space<semaphore_mem>>)
      %dma_start3A_4 = arith.constant 416 : i32
      %dma_start3A_5 = tpu.memref_slice %arg2[%dma_start3A_4] : memref<432xf32, #tpu.memory_space<hbm>> -> memref<16xf32, #tpu.memory_space<hbm>>
      %dma_start3A_6 = arith.constant 416 : i32
      %dma_start3A_7 = tpu.memref_slice %arg2[%dma_start3A_6] : memref<432xf32, #tpu.memory_space<hbm>> -> memref<16xf32, #tpu.memory_space<hbm>>
      tpu.enqueue_dma source(%dma_start3A_7 : memref<16xf32, #tpu.memory_space<hbm>>) target(%arg5 : memref<16xf32, #tpu.memory_space<vmem>>) target_semaphore(%arg7 : memref<!tpu.dma_semaphore, #tpu.memory_space<semaphore_mem>>)
      %dma_wait3A = arith.constant 416 : i32
      %dma_wait3A_8 = tpu.memref_slice %arg2[%dma_wait3A] : memref<432xf32, #tpu.memory_space<hbm>> -> memref<16xf32, #tpu.memory_space<hbm>>
      %dma_wait3A_9 = arith.constant 416 : i32
      %dma_wait3A_10 = tpu.memref_slice %arg2[%dma_wait3A_9] : memref<432xf32, #tpu.memory_space<hbm>> -> memref<16xf32, #tpu.memory_space<hbm>>
      tpu.wait_dma2 semaphore(%arg7 : memref<!tpu.dma_semaphore, #tpu.memory_space<semaphore_mem>>) src(%dma_wait3A_10 : memref<16xf32, #tpu.memory_space<hbm>>) dst(%arg5 : memref<16xf32, #tpu.memory_space<vmem>>)
      %get3A = arith.constant 0 : index
      %get3A_11 = tpu.vector_load %arg5[%get3A] {strides = array<i32>} : memref<16xf32, #tpu.memory_space<vmem>>, vector<16xf32>,
      %get3A_12 = vector.shape_cast %get3A_11 : vector<16xf32> to vector<16xf32>
      %div3A = arith.constant -2.500000e-01 : f32
      %div3A_13 = vector.broadcast %div3A : f32 to vector<16xf32>
      %div3A_14 = arith.divf %div3A_13, %get3A_12 : vector<16xf32>
      %iota3A = tpu.iota {dimensions = array<i32: 0>} : vector<16xi32>
      %convert_element_type3A_15 = arith.sitofp %iota3A : vector<16xi32> to vector<16xf32>
      %dma_wait3A_16 = tpu.memref_slice %arg2[%mul3A_2] : memref<432xf32, #tpu.memory_space<hbm>> -> memref<224xf32, #tpu.memory_space<hbm>>
      %dma_wait3A_17 = tpu.memref_slice %arg2[%mul3A_2] : memref<432xf32, #tpu.memory_space<hbm>> -> memref<224xf32, #tpu.memory_space<hbm>>
      tpu.wait_dma2 semaphore(%arg6 : memref<!tpu.dma_semaphore, #tpu.memory_space<semaphore_mem>>) src(%dma_wait3A_17 : memref<224xf32, #tpu.memory_space<hbm>>) dst(%arg4 : memref<224xf32, #tpu.memory_space<vmem>>)
      %broadcast_in_dim3A = arith.constant 0xFF800000 : f32
      %broadcast_in_dim3A_18 = vector.broadcast %broadcast_in_dim3A : f32 to vector<16xf32>
      %parallel_loop3A = arith.constant 0 : i32
      %parallel_loop3A_19 = arith.constant 12 : i32
      %parallel_loop3A_20 = arith.constant 1 : i32
      %parallel_loop3A_21 = scf.for %parallel_loop3A_103 = %parallel_loop3A to %parallel_loop3A_19 step %parallel_loop3A_20 iter_args(%parallel_loop3A_104 = %broadcast_in_dim3A_18) -> (vector<16xf32>)  : i32 {
        %parallel_loop3A_105 = arith.sitofp %parallel_loop3A_103 : i32 to f32
        %parallel_loop3A_106 = arith.constant 1.600000e+01 : f32
        %parallel_loop3A_107 = arith.mulf %parallel_loop3A_106, %parallel_loop3A_105 : f32
        %parallel_loop3A_108 = vector.broadcast %parallel_loop3A_107 : f32 to vector<16xf32>
        %parallel_loop3A_109 = arith.addf %convert_element_type3A_15, %parallel_loop3A_108 : vector<16xf32>
        %parallel_loop3A_110 = arith.constant 9.950000e-01 : f32
        %parallel_loop3A_111 = vector.broadcast %parallel_loop3A_110 : f32 to vector<16xf32>
        %parallel_loop3A_112 = arith.mulf %parallel_loop3A_109, %parallel_loop3A_111 : vector<16xf32>
        %parallel_loop3A_113 = arith.constant 9.900000e+01 : f32
        %parallel_loop3A_114 = vector.broadcast %parallel_loop3A_113 : f32 to vector<16xf32>
        %parallel_loop3A_115 = arith.subf %parallel_loop3A_112, %parallel_loop3A_114 : vector<16xf32>
        %parallel_loop3A_116 = arith.mulf %parallel_loop3A_115, %parallel_loop3A_115 : vector<16xf32>
        %parallel_loop3A_117 = arith.mulf %parallel_loop3A_116, %div3A_14 : vector<16xf32>
        %parallel_loop3A_118 = arith.constant 16 : i32
        %parallel_loop3A_119 = arith.muli %parallel_loop3A_118, %parallel_loop3A_103 : i32
        %parallel_loop3A_120 = arith.constant 0 : i32
        %parallel_loop3A_121 = arith.addi %parallel_loop3A_119, %parallel_loop3A_120 : i32
        %parallel_loop3A_122 = arith.index_cast %parallel_loop3A_121 : i32 to index
        %parallel_loop3A_123 = tpu.vector_load %arg4[%parallel_loop3A_122] {strides = array<i32>} : memref<224xf32, #tpu.memory_space<vmem>>, vector<16xf32>,
        %parallel_loop3A_124 = vector.shape_cast %parallel_loop3A_123 : vector<16xf32> to vector<16xf32>
        %parallel_loop3A_125 = vector.extract_strided_slice %parallel_loop3A_117 {offsets = [0], sizes = [1], strides = [1]} : vector<16xf32> to vector<1xf32>
        %parallel_loop3A_126 = vector.extract %parallel_loop3A_125[0] : f32 from vector<1xf32>
        %parallel_loop3A_127 = vector.broadcast %parallel_loop3A_126 : f32 to vector<16xf32>
        %parallel_loop3A_128 = arith.addf %parallel_loop3A_124, %parallel_loop3A_127 : vector<16xf32>
        %parallel_loop3A_129 = arith.maximumf %parallel_loop3A_104, %parallel_loop3A_128 : vector<16xf32>
        %parallel_loop3A_130 = arith.constant 1 : i32
        %parallel_loop3A_131 = arith.addi %parallel_loop3A_119, %parallel_loop3A_130 : i32
        %parallel_loop3A_132 = arith.index_cast %parallel_loop3A_131 : i32 to index
        %parallel_loop3A_133 = tpu.vector_load %arg4[%parallel_loop3A_132] {strides = array<i32>} : memref<224xf32, #tpu.memory_space<vmem>>, vector<16xf32>,
        %parallel_loop3A_134 = vector.shape_cast %parallel_loop3A_133 : vector<16xf32> to vector<16xf32>
        %parallel_loop3A_135 = vector.extract_strided_slice %parallel_loop3A_117 {offsets = [1], sizes = [1], strides = [1]} : vector<16xf32> to vector<1xf32>
        %parallel_loop3A_136 = vector.extract %parallel_loop3A_135[0] : f32 from vector<1xf32>
        %parallel_loop3A_137 = vector.broadcast %parallel_loop3A_136 : f32 to vector<16xf32>
        %parallel_loop3A_138 = arith.addf %parallel_loop3A_134, %parallel_loop3A_137 : vector<16xf32>
        %parallel_loop3A_139 = arith.maximumf %parallel_loop3A_129, %parallel_loop3A_138 : vector<16xf32>
        %parallel_loop3A_140 = arith.constant 2 : i32
        %parallel_loop3A_141 = arith.addi %parallel_loop3A_119, %parallel_loop3A_140 : i32
        %parallel_loop3A_142 = arith.index_cast %parallel_loop3A_141 : i32 to index
        %parallel_loop3A_143 = tpu.vector_load %arg4[%parallel_loop3A_142] {strides = array<i32>} : memref<224xf32, #tpu.memory_space<vmem>>, vector<16xf32>,
        %parallel_loop3A_144 = vector.shape_cast %parallel_loop3A_143 : vector<16xf32> to vector<16xf32>
        %parallel_loop3A_145 = vector.extract_strided_slice %parallel_loop3A_117 {offsets = [2], sizes = [1], strides = [1]} : vector<16xf32> to vector<1xf32>
        %parallel_loop3A_146 = vector.extract %parallel_loop3A_145[0] : f32 from vector<1xf32>
        %parallel_loop3A_147 = vector.broadcast %parallel_loop3A_146 : f32 to vector<16xf32>
        %parallel_loop3A_148 = arith.addf %parallel_loop3A_144, %parallel_loop3A_147 : vector<16xf32>
        %parallel_loop3A_149 = arith.maximumf %parallel_loop3A_139, %parallel_loop3A_148 : vector<16xf32>
        %parallel_loop3A_150 = arith.constant 3 : i32
        %parallel_loop3A_151 = arith.addi %parallel_loop3A_119, %parallel_loop3A_150 : i32
        %parallel_loop3A_152 = arith.index_cast %parallel_loop3A_151 : i32 to index
        %parallel_loop3A_153 = tpu.vector_load %arg4[%parallel_loop3A_152] {strides = array<i32>} : memref<224xf32, #tpu.memory_space<vmem>>, vector<16xf32>,
        %parallel_loop3A_154 = vector.shape_cast %parallel_loop3A_153 : vector<16xf32> to vector<16xf32>
        %parallel_loop3A_155 = vector.extract_strided_slice %parallel_loop3A_117 {offsets = [3], sizes = [1], strides = [1]} : vector<16xf32> to vector<1xf32>
        %parallel_loop3A_156 = vector.extract %parallel_loop3A_155[0] : f32 from vector<1xf32>
        %parallel_loop3A_157 = vector.broadcast %parallel_loop3A_156 : f32 to vector<16xf32>
        %parallel_loop3A_158 = arith.addf %parallel_loop3A_154, %parallel_loop3A_157 : vector<16xf32>
        %parallel_loop3A_159 = arith.maximumf %parallel_loop3A_149, %parallel_loop3A_158 : vector<16xf32>
        %parallel_loop3A_160 = arith.constant 4 : i32
        %parallel_loop3A_161 = arith.addi %parallel_loop3A_119, %parallel_loop3A_160 : i32
        %parallel_loop3A_162 = arith.index_cast %parallel_loop3A_161 : i32 to index
        %parallel_loop3A_163 = tpu.vector_load %arg4[%parallel_loop3A_162] {strides = array<i32>} : memref<224xf32, #tpu.memory_space<vmem>>, vector<16xf32>,
        %parallel_loop3A_164 = vector.shape_cast %parallel_loop3A_163 : vector<16xf32> to vector<16xf32>
        %parallel_loop3A_165 = vector.extract_strided_slice %parallel_loop3A_117 {offsets = [4], sizes = [1], strides = [1]} : vector<16xf32> to vector<1xf32>
        %parallel_loop3A_166 = vector.extract %parallel_loop3A_165[0] : f32 from vector<1xf32>
        %parallel_loop3A_167 = vector.broadcast %parallel_loop3A_166 : f32 to vector<16xf32>
        %parallel_loop3A_168 = arith.addf %parallel_loop3A_164, %parallel_loop3A_167 : vector<16xf32>
        %parallel_loop3A_169 = arith.maximumf %parallel_loop3A_159, %parallel_loop3A_168 : vector<16xf32>
        %parallel_loop3A_170 = arith.constant 5 : i32
        %parallel_loop3A_171 = arith.addi %parallel_loop3A_119, %parallel_loop3A_170 : i32
        %parallel_loop3A_172 = arith.index_cast %parallel_loop3A_171 : i32 to index
        %parallel_loop3A_173 = tpu.vector_load %arg4[%parallel_loop3A_172] {strides = array<i32>} : memref<224xf32, #tpu.memory_space<vmem>>, vector<16xf32>,
        %parallel_loop3A_174 = vector.shape_cast %parallel_loop3A_173 : vector<16xf32> to vector<16xf32>
        %parallel_loop3A_175 = vector.extract_strided_slice %parallel_loop3A_117 {offsets = [5], sizes = [1], strides = [1]} : vector<16xf32> to vector<1xf32>
        %parallel_loop3A_176 = vector.extract %parallel_loop3A_175[0] : f32 from vector<1xf32>
        %parallel_loop3A_177 = vector.broadcast %parallel_loop3A_176 : f32 to vector<16xf32>
        %parallel_loop3A_178 = arith.addf %parallel_loop3A_174, %parallel_loop3A_177 : vector<16xf32>
        %parallel_loop3A_179 = arith.maximumf %parallel_loop3A_169, %parallel_loop3A_178 : vector<16xf32>
        %parallel_loop3A_180 = arith.constant 6 : i32
        %parallel_loop3A_181 = arith.addi %parallel_loop3A_119, %parallel_loop3A_180 : i32
        %parallel_loop3A_182 = arith.index_cast %parallel_loop3A_181 : i32 to index
        %parallel_loop3A_183 = tpu.vector_load %arg4[%parallel_loop3A_182] {strides = array<i32>} : memref<224xf32, #tpu.memory_space<vmem>>, vector<16xf32>,
        %parallel_loop3A_184 = vector.shape_cast %parallel_loop3A_183 : vector<16xf32> to vector<16xf32>
        %parallel_loop3A_185 = vector.extract_strided_slice %parallel_loop3A_117 {offsets = [6], sizes = [1], strides = [1]} : vector<16xf32> to vector<1xf32>
        %parallel_loop3A_186 = vector.extract %parallel_loop3A_185[0] : f32 from vector<1xf32>
        %parallel_loop3A_187 = vector.broadcast %parallel_loop3A_186 : f32 to vector<16xf32>
        %parallel_loop3A_188 = arith.addf %parallel_loop3A_184, %parallel_loop3A_187 : vector<16xf32>
        %parallel_loop3A_189 = arith.maximumf %parallel_loop3A_179, %parallel_loop3A_188 : vector<16xf32>
        %parallel_loop3A_190 = arith.constant 7 : i32
        %parallel_loop3A_191 = arith.addi %parallel_loop3A_119, %parallel_loop3A_190 : i32
        %parallel_loop3A_192 = arith.index_cast %parallel_loop3A_191 : i32 to index
        %parallel_loop3A_193 = tpu.vector_load %arg4[%parallel_loop3A_192] {strides = array<i32>} : memref<224xf32, #tpu.memory_space<vmem>>, vector<16xf32>,
        %parallel_loop3A_194 = vector.shape_cast %parallel_loop3A_193 : vector<16xf32> to vector<16xf32>
        %parallel_loop3A_195 = vector.extract_strided_slice %parallel_loop3A_117 {offsets = [7], sizes = [1], strides = [1]} : vector<16xf32> to vector<1xf32>
        %parallel_loop3A_196 = vector.extract %parallel_loop3A_195[0] : f32 from vector<1xf32>
        %parallel_loop3A_197 = vector.broadcast %parallel_loop3A_196 : f32 to vector<16xf32>
        %parallel_loop3A_198 = arith.addf %parallel_loop3A_194, %parallel_loop3A_197 : vector<16xf32>
        %parallel_loop3A_199 = arith.maximumf %parallel_loop3A_189, %parallel_loop3A_198 : vector<16xf32>
        %parallel_loop3A_200 = arith.constant 8 : i32
        %parallel_loop3A_201 = arith.addi %parallel_loop3A_119, %parallel_loop3A_200 : i32
        %parallel_loop3A_202 = arith.index_cast %parallel_loop3A_201 : i32 to index
        %parallel_loop3A_203 = tpu.vector_load %arg4[%parallel_loop3A_202] {strides = array<i32>} : memref<224xf32, #tpu.memory_space<vmem>>, vector<16xf32>,
        %parallel_loop3A_204 = vector.shape_cast %parallel_loop3A_203 : vector<16xf32> to vector<16xf32>
        %parallel_loop3A_205 = vector.extract_strided_slice %parallel_loop3A_117 {offsets = [8], sizes = [1], strides = [1]} : vector<16xf32> to vector<1xf32>
        %parallel_loop3A_206 = vector.extract %parallel_loop3A_205[0] : f32 from vector<1xf32>
        %parallel_loop3A_207 = vector.broadcast %parallel_loop3A_206 : f32 to vector<16xf32>
        %parallel_loop3A_208 = arith.addf %parallel_loop3A_204, %parallel_loop3A_207 : vector<16xf32>
        %parallel_loop3A_209 = arith.maximumf %parallel_loop3A_199, %parallel_loop3A_208 : vector<16xf32>
        %parallel_loop3A_210 = arith.constant 9 : i32
        %parallel_loop3A_211 = arith.addi %parallel_loop3A_119, %parallel_loop3A_210 : i32
        %parallel_loop3A_212 = arith.index_cast %parallel_loop3A_211 : i32 to index
        %parallel_loop3A_213 = tpu.vector_load %arg4[%parallel_loop3A_212] {strides = array<i32>} : memref<224xf32, #tpu.memory_space<vmem>>, vector<16xf32>,
        %parallel_loop3A_214 = vector.shape_cast %parallel_loop3A_213 : vector<16xf32> to vector<16xf32>
        %parallel_loop3A_215 = vector.extract_strided_slice %parallel_loop3A_117 {offsets = [9], sizes = [1], strides = [1]} : vector<16xf32> to vector<1xf32>
        %parallel_loop3A_216 = vector.extract %parallel_loop3A_215[0] : f32 from vector<1xf32>
        %parallel_loop3A_217 = vector.broadcast %parallel_loop3A_216 : f32 to vector<16xf32>
        %parallel_loop3A_218 = arith.addf %parallel_loop3A_214, %parallel_loop3A_217 : vector<16xf32>
        %parallel_loop3A_219 = arith.maximumf %parallel_loop3A_209, %parallel_loop3A_218 : vector<16xf32>
        %parallel_loop3A_220 = arith.constant 10 : i32
        %parallel_loop3A_221 = arith.addi %parallel_loop3A_119, %parallel_loop3A_220 : i32
        %parallel_loop3A_222 = arith.index_cast %parallel_loop3A_221 : i32 to index
        %parallel_loop3A_223 = tpu.vector_load %arg4[%parallel_loop3A_222] {strides = array<i32>} : memref<224xf32, #tpu.memory_space<vmem>>, vector<16xf32>,
        %parallel_loop3A_224 = vector.shape_cast %parallel_loop3A_223 : vector<16xf32> to vector<16xf32>
        %parallel_loop3A_225 = vector.extract_strided_slice %parallel_loop3A_117 {offsets = [10], sizes = [1], strides = [1]} : vector<16xf32> to vector<1xf32>
        %parallel_loop3A_226 = vector.extract %parallel_loop3A_225[0] : f32 from vector<1xf32>
        %parallel_loop3A_227 = vector.broadcast %parallel_loop3A_226 : f32 to vector<16xf32>
        %parallel_loop3A_228 = arith.addf %parallel_loop3A_224, %parallel_loop3A_227 : vector<16xf32>
        %parallel_loop3A_229 = arith.maximumf %parallel_loop3A_219, %parallel_loop3A_228 : vector<16xf32>
        %parallel_loop3A_230 = arith.constant 11 : i32
        %parallel_loop3A_231 = arith.addi %parallel_loop3A_119, %parallel_loop3A_230 : i32
        %parallel_loop3A_232 = arith.index_cast %parallel_loop3A_231 : i32 to index
        %parallel_loop3A_233 = tpu.vector_load %arg4[%parallel_loop3A_232] {strides = array<i32>} : memref<224xf32, #tpu.memory_space<vmem>>, vector<16xf32>,
        %parallel_loop3A_234 = vector.shape_cast %parallel_loop3A_233 : vector<16xf32> to vector<16xf32>
        %parallel_loop3A_235 = vector.extract_strided_slice %parallel_loop3A_117 {offsets = [11], sizes = [1], strides = [1]} : vector<16xf32> to vector<1xf32>
        %parallel_loop3A_236 = vector.extract %parallel_loop3A_235[0] : f32 from vector<1xf32>
        %parallel_loop3A_237 = vector.broadcast %parallel_loop3A_236 : f32 to vector<16xf32>
        %parallel_loop3A_238 = arith.addf %parallel_loop3A_234, %parallel_loop3A_237 : vector<16xf32>
        %parallel_loop3A_239 = arith.maximumf %parallel_loop3A_229, %parallel_loop3A_238 : vector<16xf32>
        %parallel_loop3A_240 = arith.constant 12 : i32
        %parallel_loop3A_241 = arith.addi %parallel_loop3A_119, %parallel_loop3A_240 : i32
        %parallel_loop3A_242 = arith.index_cast %parallel_loop3A_241 : i32 to index
        %parallel_loop3A_243 = tpu.vector_load %arg4[%parallel_loop3A_242] {strides = array<i32>} : memref<224xf32, #tpu.memory_space<vmem>>, vector<16xf32>,
        %parallel_loop3A_244 = vector.shape_cast %parallel_loop3A_243 : vector<16xf32> to vector<16xf32>
        %parallel_loop3A_245 = vector.extract_strided_slice %parallel_loop3A_117 {offsets = [12], sizes = [1], strides = [1]} : vector<16xf32> to vector<1xf32>
        %parallel_loop3A_246 = vector.extract %parallel_loop3A_245[0] : f32 from vector<1xf32>
        %parallel_loop3A_247 = vector.broadcast %parallel_loop3A_246 : f32 to vector<16xf32>
        %parallel_loop3A_248 = arith.addf %parallel_loop3A_244, %parallel_loop3A_247 : vector<16xf32>
        %parallel_loop3A_249 = arith.maximumf %parallel_loop3A_239, %parallel_loop3A_248 : vector<16xf32>
        %parallel_loop3A_250 = arith.constant 13 : i32
        %parallel_loop3A_251 = arith.addi %parallel_loop3A_119, %parallel_loop3A_250 : i32
        %parallel_loop3A_252 = arith.index_cast %parallel_loop3A_251 : i32 to index
        %parallel_loop3A_253 = tpu.vector_load %arg4[%parallel_loop3A_252] {strides = array<i32>} : memref<224xf32, #tpu.memory_space<vmem>>, vector<16xf32>,
        %parallel_loop3A_254 = vector.shape_cast %parallel_loop3A_253 : vector<16xf32> to vector<16xf32>
        %parallel_loop3A_255 = vector.extract_strided_slice %parallel_loop3A_117 {offsets = [13], sizes = [1], strides = [1]} : vector<16xf32> to vector<1xf32>
        %parallel_loop3A_256 = vector.extract %parallel_loop3A_255[0] : f32 from vector<1xf32>
        %parallel_loop3A_257 = vector.broadcast %parallel_loop3A_256 : f32 to vector<16xf32>
        %parallel_loop3A_258 = arith.addf %parallel_loop3A_254, %parallel_loop3A_257 : vector<16xf32>
        %parallel_loop3A_259 = arith.maximumf %parallel_loop3A_249, %parallel_loop3A_258 : vector<16xf32>
        %parallel_loop3A_260 = arith.constant 14 : i32
        %parallel_loop3A_261 = arith.addi %parallel_loop3A_119, %parallel_loop3A_260 : i32
        %parallel_loop3A_262 = arith.index_cast %parallel_loop3A_261 : i32 to index
        %parallel_loop3A_263 = tpu.vector_load %arg4[%parallel_loop3A_262] {strides = array<i32>} : memref<224xf32, #tpu.memory_space<vmem>>, vector<16xf32>,
        %parallel_loop3A_264 = vector.shape_cast %parallel_loop3A_263 : vector<16xf32> to vector<16xf32>
        %parallel_loop3A_265 = vector.extract_strided_slice %parallel_loop3A_117 {offsets = [14], sizes = [1], strides = [1]} : vector<16xf32> to vector<1xf32>
        %parallel_loop3A_266 = vector.extract %parallel_loop3A_265[0] : f32 from vector<1xf32>
        %parallel_loop3A_267 = vector.broadcast %parallel_loop3A_266 : f32 to vector<16xf32>
        %parallel_loop3A_268 = arith.addf %parallel_loop3A_264, %parallel_loop3A_267 : vector<16xf32>
        %parallel_loop3A_269 = arith.maximumf %parallel_loop3A_259, %parallel_loop3A_268 : vector<16xf32>
        %parallel_loop3A_270 = arith.constant 15 : i32
        %parallel_loop3A_271 = arith.addi %parallel_loop3A_119, %parallel_loop3A_270 : i32
        %parallel_loop3A_272 = arith.index_cast %parallel_loop3A_271 : i32 to index
        %parallel_loop3A_273 = tpu.vector_load %arg4[%parallel_loop3A_272] {strides = array<i32>} : memref<224xf32, #tpu.memory_space<vmem>>, vector<16xf32>,
        %parallel_loop3A_274 = vector.shape_cast %parallel_loop3A_273 : vector<16xf32> to vector<16xf32>
        %parallel_loop3A_275 = vector.extract_strided_slice %parallel_loop3A_117 {offsets = [15], sizes = [1], strides = [1]} : vector<16xf32> to vector<1xf32>
        %parallel_loop3A_276 = vector.extract %parallel_loop3A_275[0] : f32 from vector<1xf32>
        %parallel_loop3A_277 = vector.broadcast %parallel_loop3A_276 : f32 to vector<16xf32>
        %parallel_loop3A_278 = arith.addf %parallel_loop3A_274, %parallel_loop3A_277 : vector<16xf32>
        %parallel_loop3A_279 = arith.maximumf %parallel_loop3A_269, %parallel_loop3A_278 : vector<16xf32>
        scf.yield %parallel_loop3A_279 : vector<16xf32>
      } {sc.loop_unroll_factor = 4 : i64, sc.parallel_access}
      %add3A = arith.constant 1.920000e+02 : f32
      %add3A_22 = vector.broadcast %add3A : f32 to vector<16xf32>
      %add3A_23 = arith.addf %convert_element_type3A_15, %add3A_22 : vector<16xf32>
      %mul3A_24 = arith.constant 9.950000e-01 : f32
      %mul3A_25 = vector.broadcast %mul3A_24 : f32 to vector<16xf32>
      %mul3A_26 = arith.mulf %add3A_23, %mul3A_25 : vector<16xf32>
      %sub3A = arith.constant 9.900000e+01 : f32
      %sub3A_27 = vector.broadcast %sub3A : f32 to vector<16xf32>
      %sub3A_28 = arith.subf %mul3A_26, %sub3A_27 : vector<16xf32>
      %mul3A_29 = arith.mulf %sub3A_28, %sub3A_28 : vector<16xf32>
      %mul3A_30 = arith.mulf %mul3A_29, %div3A_14 : vector<16xf32>
      %get3A_31 = arith.constant 192 : index
      %get3A_32 = tpu.vector_load %arg4[%get3A_31] {strides = array<i32>} : memref<224xf32, #tpu.memory_space<vmem>>, vector<16xf32>,
      %get3A_33 = vector.shape_cast %get3A_32 : vector<16xf32> to vector<16xf32>
      %slice3A = vector.extract_strided_slice %mul3A_30 {offsets = [0], sizes = [1], strides = [1]} : vector<16xf32> to vector<1xf32>
      %squeeze3A = vector.extract %slice3A[0] : f32 from vector<1xf32>
      %add3A_34 = vector.broadcast %squeeze3A : f32 to vector<16xf32>
      %add3A_35 = arith.addf %get3A_33, %add3A_34 : vector<16xf32>
      %max3A = arith.maximumf %parallel_loop3A_21, %add3A_35 : vector<16xf32>
      %get3A_36 = arith.constant 193 : index
      %get3A_37 = tpu.vector_load %arg4[%get3A_36] {strides = array<i32>} : memref<224xf32, #tpu.memory_space<vmem>>, vector<16xf32>,
      %get3A_38 = vector.shape_cast %get3A_37 : vector<16xf32> to vector<16xf32>
      %slice3A_39 = vector.extract_strided_slice %mul3A_30 {offsets = [1], sizes = [1], strides = [1]} : vector<16xf32> to vector<1xf32>
      %squeeze3A_40 = vector.extract %slice3A_39[0] : f32 from vector<1xf32>
      %add3A_41 = vector.broadcast %squeeze3A_40 : f32 to vector<16xf32>
      %add3A_42 = arith.addf %get3A_38, %add3A_41 : vector<16xf32>
      %max3A_43 = arith.maximumf %max3A, %add3A_42 : vector<16xf32>
      %get3A_44 = arith.constant 194 : index
      %get3A_45 = tpu.vector_load %arg4[%get3A_44] {strides = array<i32>} : memref<224xf32, #tpu.memory_space<vmem>>, vector<16xf32>,
      %get3A_46 = vector.shape_cast %get3A_45 : vector<16xf32> to vector<16xf32>
      %slice3A_47 = vector.extract_strided_slice %mul3A_30 {offsets = [2], sizes = [1], strides = [1]} : vector<16xf32> to vector<1xf32>
      %squeeze3A_48 = vector.extract %slice3A_47[0] : f32 from vector<1xf32>
      %add3A_49 = vector.broadcast %squeeze3A_48 : f32 to vector<16xf32>
      %add3A_50 = arith.addf %get3A_46, %add3A_49 : vector<16xf32>
      %max3A_51 = arith.maximumf %max3A_43, %add3A_50 : vector<16xf32>
      %get3A_52 = arith.constant 195 : index
      %get3A_53 = tpu.vector_load %arg4[%get3A_52] {strides = array<i32>} : memref<224xf32, #tpu.memory_space<vmem>>, vector<16xf32>,
      %get3A_54 = vector.shape_cast %get3A_53 : vector<16xf32> to vector<16xf32>
      %slice3A_55 = vector.extract_strided_slice %mul3A_30 {offsets = [3], sizes = [1], strides = [1]} : vector<16xf32> to vector<1xf32>
      %squeeze3A_56 = vector.extract %slice3A_55[0] : f32 from vector<1xf32>
      %add3A_57 = vector.broadcast %squeeze3A_56 : f32 to vector<16xf32>
      %add3A_58 = arith.addf %get3A_54, %add3A_57 : vector<16xf32>
      %max3A_59 = arith.maximumf %max3A_51, %add3A_58 : vector<16xf32>
      %get3A_60 = arith.constant 196 : index
      %get3A_61 = tpu.vector_load %arg4[%get3A_60] {strides = array<i32>} : memref<224xf32, #tpu.memory_space<vmem>>, vector<16xf32>,
      %get3A_62 = vector.shape_cast %get3A_61 : vector<16xf32> to vector<16xf32>
      %slice3A_63 = vector.extract_strided_slice %mul3A_30 {offsets = [4], sizes = [1], strides = [1]} : vector<16xf32> to vector<1xf32>
      %squeeze3A_64 = vector.extract %slice3A_63[0] : f32 from vector<1xf32>
      %add3A_65 = vector.broadcast %squeeze3A_64 : f32 to vector<16xf32>
      %add3A_66 = arith.addf %get3A_62, %add3A_65 : vector<16xf32>
      %max3A_67 = arith.maximumf %max3A_59, %add3A_66 : vector<16xf32>
      %get3A_68 = arith.constant 197 : index
      %get3A_69 = tpu.vector_load %arg4[%get3A_68] {strides = array<i32>} : memref<224xf32, #tpu.memory_space<vmem>>, vector<16xf32>,
      %get3A_70 = vector.shape_cast %get3A_69 : vector<16xf32> to vector<16xf32>
      %slice3A_71 = vector.extract_strided_slice %mul3A_30 {offsets = [5], sizes = [1], strides = [1]} : vector<16xf32> to vector<1xf32>
      %squeeze3A_72 = vector.extract %slice3A_71[0] : f32 from vector<1xf32>
      %add3A_73 = vector.broadcast %squeeze3A_72 : f32 to vector<16xf32>
      %add3A_74 = arith.addf %get3A_70, %add3A_73 : vector<16xf32>
      %max3A_75 = arith.maximumf %max3A_67, %add3A_74 : vector<16xf32>
      %get3A_76 = arith.constant 198 : index
      %get3A_77 = tpu.vector_load %arg4[%get3A_76] {strides = array<i32>} : memref<224xf32, #tpu.memory_space<vmem>>, vector<16xf32>,
      %get3A_78 = vector.shape_cast %get3A_77 : vector<16xf32> to vector<16xf32>
      %slice3A_79 = vector.extract_strided_slice %mul3A_30 {offsets = [6], sizes = [1], strides = [1]} : vector<16xf32> to vector<1xf32>
      %squeeze3A_80 = vector.extract %slice3A_79[0] : f32 from vector<1xf32>
      %add3A_81 = vector.broadcast %squeeze3A_80 : f32 to vector<16xf32>
      %add3A_82 = arith.addf %get3A_78, %add3A_81 : vector<16xf32>
      %max3A_83 = arith.maximumf %max3A_75, %add3A_82 : vector<16xf32>
      %get3A_84 = arith.constant 199 : index
      %get3A_85 = tpu.vector_load %arg4[%get3A_84] {strides = array<i32>} : memref<224xf32, #tpu.memory_space<vmem>>, vector<16xf32>,
      %get3A_86 = vector.shape_cast %get3A_85 : vector<16xf32> to vector<16xf32>
      %slice3A_87 = vector.extract_strided_slice %mul3A_30 {offsets = [7], sizes = [1], strides = [1]} : vector<16xf32> to vector<1xf32>
      %squeeze3A_88 = vector.extract %slice3A_87[0] : f32 from vector<1xf32>
      %add3A_89 = vector.broadcast %squeeze3A_88 : f32 to vector<16xf32>
      %add3A_90 = arith.addf %get3A_86, %add3A_89 : vector<16xf32>
      %max3A_91 = arith.maximumf %max3A_83, %add3A_90 : vector<16xf32>
      %get3A_92 = arith.constant 200 : index
      %get3A_93 = tpu.vector_load %arg4[%get3A_92] {strides = array<i32>} : memref<224xf32, #tpu.memory_space<vmem>>, vector<16xf32>,
      %get3A_94 = vector.shape_cast %get3A_93 : vector<16xf32> to vector<16xf32>
      %slice3A_95 = vector.extract_strided_slice %mul3A_30 {offsets = [8], sizes = [1], strides = [1]} : vector<16xf32> to vector<1xf32>
      %squeeze3A_96 = vector.extract %slice3A_95[0] : f32 from vector<1xf32>
      %add3A_97 = vector.broadcast %squeeze3A_96 : f32 to vector<16xf32>
      %add3A_98 = arith.addf %get3A_94, %add3A_97 : vector<16xf32>
      %max3A_99 = arith.maximumf %max3A_91, %add3A_98 : vector<16xf32>
      %swap3A = arith.constant 0 : index
      %swap3A_100 = tpu.vector_load %arg5[%swap3A] {strides = array<i32>} : memref<16xf32, #tpu.memory_space<vmem>>, vector<16xf32>,
      %swap3A_101 = vector.shape_cast %swap3A_100 : vector<16xf32> to vector<16xf32>
      %swap3A_102 = vector.shape_cast %max3A_99 : vector<16xf32> to vector<16xf32>
      tpu.vector_store %arg5[%swap3A], %swap3A_102 {strides = array<i32>} : memref<16xf32, #tpu.memory_space<vmem>>, vector<16xf32>,
      "tpu.region"() ({
        %run_scoped3A = tpu.sem_alloc : memref<!tpu.dma_semaphore, #tpu.memory_space<semaphore_mem>>
        %dma_start3A_103 = tpu.memref_slice %arg3[%mul3A_2] : memref<208xf32, #tpu.memory_space<hbm>> -> memref<16xf32, #tpu.memory_space<hbm>>
        %dma_start3A_104 = tpu.memref_slice %arg3[%mul3A_2] : memref<208xf32, #tpu.memory_space<hbm>> -> memref<16xf32, #tpu.memory_space<hbm>>
        tpu.enqueue_dma source(%arg5 : memref<16xf32, #tpu.memory_space<vmem>>) target(%dma_start3A_104 : memref<16xf32, #tpu.memory_space<hbm>>) target_semaphore(%run_scoped3A : memref<!tpu.dma_semaphore, #tpu.memory_space<semaphore_mem>>)
        %dma_wait3A_105 = tpu.memref_slice %arg3[%mul3A_2] : memref<208xf32, #tpu.memory_space<hbm>> -> memref<16xf32, #tpu.memory_space<hbm>>
        %dma_wait3A_106 = tpu.memref_slice %arg3[%mul3A_2] : memref<208xf32, #tpu.memory_space<hbm>> -> memref<16xf32, #tpu.memory_space<hbm>>
        tpu.wait_dma2 semaphore(%run_scoped3A : memref<!tpu.dma_semaphore, #tpu.memory_space<semaphore_mem>>) src(%arg5 : memref<16xf32, #tpu.memory_space<vmem>>) dst(%dma_wait3A_106 : memref<16xf32, #tpu.memory_space<hbm>>)
        tpu.yield
      }) : () -> ()
    } else {
    }
    return
  }
}

</mosaic_0001>

<sc_bundles>
// kernel: kernel.3.cloned.1.call-start
scs
__scs_entry_jumppad:
0x0: {  	(pc) =	sbr.rel $0x88, $3  }
0x1: {  	(tag) =	ssettag $0x0;
	lr =	simm.s32 $0x1  }
0x2: {  	[smem:$0x3F9F] =	sst lr;
	_ =	strace $0xD0000000  }
0x3: {  	_ = 	snop  }
0x4: {  	_ = 	snop  }
0x5: {  	_ = 	snop  }
0x6: {  	_ = 	snop  }
0x7: {  	_ = 	snop  }
__scs_overlays_trampoline_lowered:
0x8: {  	[smem:$0x3FAE] =	sst s0  }
0x9: {  	[smem:$0x3FAF] =	sst s1  }
0xa: {  	[smem:$0x3FB0] =	sst s2  }
0xb: {  	[smem:$0x3FB1] =	sst s3  }
0xc: {  	[smem:$0x3FB2] =	sst s4  }
0xd: {  	[smem:$0x3FB3] =	sst s5  }
0xe: {  	[smem:$0x3FB4] =	sst s6  }
0xf: {  	[smem:$0x3FB5] =	sst s7  }
0x10: {  	[smem:$0x3FB6] =	sst s8  }
0x11: {  	[smem:$0x3FB7] =	sst s9;
	s0 =	simm.s32 @!p0 $0x0  }
0x12: {  	s1 =	sld [smem:$0x3F9D];
	s0 =	simm.s32 @p0 $0x1  }
0x13: {  	[smem:$0x3FB8] =	sst s0;
	s0 =	simm.s32 @!p1 $0x0  }
0x14: {  	s2 =	sld [smem:$0x3F9C];
	s0 =	simm.s32 @p1 $0x1  }
0x15: {  	[smem:$0x3FB9] =	sst s0;
	s0 =	simm.s32 @!p2 $0x0  }
0x16: {  	s3 =	sld [smem:$0x3FDB];
	s0 =	simm.s32 @p2 $0x1  }
0x17: {  	s4 =	simm.s32 $0x1BF5;
	[smem:$0x3FBB] =	sst s0  }
0x18: {  	s0 =	sld [smem:$0x3F9E];
	_ =	swait.ge [sflag:s4], $0x0  }
0x19: {  	s7 =	sld [smem:$0x3F9F]  }
0x1a: {  	s8 =	sadd.s32 $0xFFFFE003, lr  }
0x1b: {  	s9 =	sadd.s32 $0xFFFFFEF7, lr;
	s5 =	simm.s32 $0xFFFFFFFF;
	p2 =	slt.u32 s8, $0xFFFFF086  }
0x1c: {  	p1 =	slt.u32 s9, $0xF7A;
	s5 =	simm.s32 @!p2 $0x0  }
0x1d: {  	s5 =	simm.s32 @p1 $0x1;
	p0 =	seq.s32 s7, s2  }
0x1e: {  	s7 =	smul.u32 @!p0 $0xF7A, s2;
	p2 =	seq.s32 @!p0 s5, $0x0  }
0x1f: {  	s9 =	smul.u32 $0xF7A, s1;
	s8 =	simm.s32 @!p0 $0x1BF5;
	p2 =	por !p2, p0  }
0x20: {  	[sflag:s8] =	ssyncset.s32 @!p0 $0xFFFFF086;
	s6 =	sadd.s32 @!p0 s3, s7;
	s7 =	simm.s32 @!p0 $0x108  }
0x21: {  	s3 =	sadd.s32 s3, s9;
	s6 =	sadd.s32 @!p0 $0x88, s6;
	s7 =	simm.s32 @p2 $0x1082  }
0x22: {  	[simem:s7], [sflag:s8] =	dma.local @!p0 [hbm:s6], $0xF7A  }
0x23: {  	s9 =	sor.u32 $0xD0000000, s2;
	s6 =	simm.s32 $0x108;
	_ =	swait.ge @!p0 [sflag:s8], $0x0  }
0x24: {  	s3 =	sadd.s32 $0x88, s3;
	s6 =	simm.s32 @!p1 $0x1082;
	[sflag:s4] =	ssyncset.s32 $0xFFFFF086  }
0x25: {  	[simem:s6], [sflag:s4] =	dma.local [hbm:s3], $0xF7A  }
0x26: {  	[smem:$0x3F9F] =	sst s1;
	(tag) =	ssettag s2;
	_ =	strace s9  }
0x27: {  	s1 =	sld [smem:$0x3FAF]  }
0x28: {  	s2 =	sld [smem:$0x3FB0]  }
0x29: {  	s4 =	sld [smem:$0x3FB2]  }
0x2a: {  	p0 =	seq.s32 s5, $0x0;
	s5 =	sld [smem:$0x3FB3]  }
0x2b: {  	s6 =	sld [smem:$0x3FB4]  }
0x2c: {  	s7 =	sld [smem:$0x3FB5]  }
0x2d: {  	s3 =	simm.s32 $0x108;
	s8 =	sld [smem:$0x3FB6]  }
0x2e: {  	s3 =	simm.s32 @!p0 $0x1082;
	s9 =	sld [smem:$0x3FB7]  }
0x2f: {  	lr =	sadd.s32 s0, s3;
	s0 =	sld [smem:$0x3FAE]  }
0x30: {  	s3 =	sld [smem:$0x3FB1]  }
0x31: {  	[smem:$0x3FBA] =	sst s10  }
0x32: {  	s10 =	sld [smem:$0x3FB8];
	_ =	sdelay $0x3  }
0x33: {  	p0 =	seq.s32 s10, $0x1;
	s10 =	sld [smem:$0x3FBA];
	_ =	sdelay $0x3  }
0x34: {  	[smem:$0x3FBA] =	sst s10  }
0x35: {  	s10 =	sld [smem:$0x3FB9];
	_ =	sdelay $0x3  }
0x36: {  	p1 =	seq.s32 s10, $0x1;
	s10 =	sld [smem:$0x3FBA];
	_ =	sdelay $0x3  }
0x37: {  	[smem:$0x3FBA] =	sst s10  }
0x38: {  	s10 =	sld [smem:$0x3FBB]  }
0x39: {  	_ = 	snop;
	(pc) =	sbr.ind lr, $3  }
0x3a: {  	_ = 	snop  }
0x3b: {  	_ = 	snop  }
0x3c: {  	p2 =	seq.s32 s10, $0x1;
	s10 =	sld [smem:$0x3FBA]  }
0x3d: {  	_ =	shalt  }
0x3e: {  	_ =	shalt  }
0x3f: {  	_ =	shalt  }
0x40: {  	_ =	shalt  }
0x41: {  	_ =	shalt  }
0x42: {  	_ =	shalt  }
0x43: {  	_ =	shalt  }
0x44: {  	_ =	shalt  }
0x45: {  	_ =	shalt  }
0x46: {  	_ =	shalt  }
0x47: {  	_ =	shalt  }
0x48: {  	_ =	shalt  }
0x49: {  	_ =	shalt  }
0x4a: {  	_ =	shalt  }
0x4b: {  	_ =	shalt  }
0x4c: {  	_ =	shalt  }
0x4d: {  	_ =	shalt  }
0x4e: {  	_ =	shalt  }
0x4f: {  	_ =	shalt  }
0x50: {  	_ =	shalt  }
0x51: {  	_ =	shalt  }
0x52: {  	_ =	shalt  }
0x53: {  	_ =	shalt  }
0x54: {  	_ =	shalt  }
0x55: {  	_ =	shalt  }
0x56: {  	_ =	shalt  }
0x57: {  	_ =	shalt  }
0x58: {  	_ =	shalt  }
0x59: {  	_ =	shalt  }
0x5a: {  	_ =	shalt  }
0x5b: {  	_ =	shalt  }
0x5c: {  	_ =	shalt  }
0x5d: {  	_ =	shalt  }
0x5e: {  	_ =	shalt  }
0x5f: {  	_ =	shalt  }
0x60: {  	_ =	shalt  }
0x61: {  	_ =	shalt  }
0x62: {  	_ =	shalt  }
0x63: {  	_ =	shalt  }
0x64: {  	_ =	shalt  }
0x65: {  	_ =	shalt  }
0x66: {  	_ =	shalt  }
0x67: {  	_ =	shalt  }
0x68: {  	_ =	shalt  }
0x69: {  	_ =	shalt  }
0x6a: {  	_ =	shalt  }
0x6b: {  	_ =	shalt  }
0x6c: {  	_ =	shalt  }
0x6d: {  	_ =	shalt  }
0x6e: {  	_ =	shalt  }
0x6f: {  	_ =	shalt  }
0x70: {  	_ =	shalt  }
0x71: {  	_ =	shalt  }
0x72: {  	_ =	shalt  }
0x73: {  	_ =	shalt  }
0x74: {  	_ =	shalt  }
0x75: {  	_ =	shalt  }
0x76: {  	_ =	shalt  }
0x77: {  	_ =	shalt  }
0x78: {  	_ =	shalt  }
0x79: {  	_ =	shalt  }
0x7a: {  	_ =	shalt  }
0x7b: {  	_ =	shalt  }
0x7c: {  	_ =	shalt  }
0x7d: {  	_ =	shalt  }
0x7e: {  	_ =	shalt  }
0x7f: {  	_ =	shalt  }
0x80: {  	_ =	shalt  }
0x81: {  	_ =	shalt  }
0x82: {  	_ =	shalt  }
0x83: {  	_ =	shalt  }
0x84: {  	_ =	shalt  }
0x85: {  	_ =	shalt  }
0x86: {  	_ =	shalt  }
0x87: {  	_ =	shalt  }
.Lfunc_end0:
.L_simem_size_0:
called_computation_lowered:
.L_overlay_start_0:
0x88: {  	s0 =	sld [smem:$0x3FD9]  }
0x89: {  	s1 =	sld [smem:$0x3FFE];
	_ =	sdelay $0x3  }
0x8a: {  	s0 =	sadd.s32 s1, s0  }
0x8b: {  	[smem:$0x3FC6] =	sst s0  }
0x8c: {  	_ = 	snop  }
0x8d: {  	s0 =	sld [smem:$0x3FD0];
	(tm) =	ssettm $0x1  }
0x8e: {  	s16 =	sld [smem:$0x3FFB];
	_ =	sdelay $0x3  }
0x8f: {  	_ =	strace s16  }
0x90: {  	s1 =	sld [smem:$0x3FFC];
	_ =	sdelay $0x3  }
0x91: {  	_ =	strace s1  }
0x92: {  	s1 =	sld [smem:$0x3FFD];
	_ =	sdelay $0x3  }
0x93: {  	_ =	strace s1  }
0x94: {  	_ =	strace $0x8FFFFFFF  }
0x95: {  	s17 =	sld [smem:$0x3FDB];
	_ =	sdelay $0x1  }
0x96: {  	s2 =	simm.s32 $_scs_section_size  }
0x97: {  	s3 =	simm.s32 $_size__tile_overlayer_lowered;
	s4 =	simm.s32 $_tile_overlayer_lowered  }
0x98: {  	s20 =	simm.s32 $0x1BFF;
	s19 =	sshll.u32 s4, $0x1;
	s1 =	sadd.s32 s2, s17  }
0x99: {  	s5 =	simm.s32 $0x0;
	s18 =	sshll.u32 s3, $0x1;
	s3 =	sadd.s32 s19, s1  }
0x9a: {  	[timem:s5], [sflag:s20] =	dma.local [hbm:s3], s18  }
0x9b: {  	_ =	swait.ge [sflag:s20], s18  }
0x9c: {  	s2 =	ssub.s32 $0x0, s18;
	[sflag:s20] =	ssyncset.done $0x0  }
0x9d: {  	[sflag:s20] =	ssyncadd.s32 s2;
	_ =	sdelay $0x1  }
0x9e: {  	s21 =	simm.s32 $0x1B8B  }
0x9f: {  	_ =	swait.ge [sflag:s21], $0x1  }
0xa0: {  	[sflag:s21] =	ssyncset.done $0x0  }
0xa1: {  	s23 =	simm.s32 $0x1B8E;
	s22 =	sld [smem:$0x3FFE];
	[sflag:s21] =	ssyncadd.s32 $0xFFFFFFFF  }
0xa2: {  	s24 =	simm.s32 $execute0_lowered;
	[smem:$0x3FD2] =	sst s23  }
0xa3: {  	s3 =	sshll.u32 s24, $0x1;
	_ =	strace $0x80000046;
	[dreg:$0x1] =	wrdreg $0xFFFFFFFF  }
0xa4: {  	s25 =	simm.s32 $_size_execute0_lowered;
	s1 =	sadd.s32 s1, s3;
	[dreg:$0x0] =	wrdreg $0x0  }
0xa5: {  	s3 =	sshll.u32 s25, $0x1;
	[dreg:$0x2] =	wrdreg s1  }
0xa6: {  	[dreg:$0x3] =	wrdreg s3  }
0xa7: {  	[dreg:$0x4] =	wrdreg $0xC0  }
0xa8: {  	_ =	task [dreg:s5], $0x5FFFF  }
0xa9: {  	[dreg:$0x1] =	wrdreg $0xFFFFFFFF  }
0xaa: {  	[dreg:$0x0] =	wrdreg $0x60  }
0xab: {  	[dreg:$0x2] =	wrdreg s22  }
0xac: {  	[dreg:$0x3] =	wrdreg s0  }
0xad: {  	[dreg:$0x4] =	wrdreg $0x9  }
0xae: {  	_ =	task.clear_ibuf [dreg:s5], $0x5FFFF;
	_ =	strace $0x90000046  }
0xaf: {  	s26 =	simm.s32 $0x9;
	_ =	strace $0x80000048  }
0xb0: {  	_ =	swait.ge [sflag:s26], $0x1  }
0xb1: {  	[sflag:s26] =	ssyncadd.s32 $0xFFFFFFFF  }
0xb2: {  	_ =	strace $0x90000048  }
0xb3: {  	_ =	sfence  }
0xb4: {  	s28 =	sld [smem:$0x0];
	_ =	sdelay $0x1  }
0xb5: {  	s29 =	srdreg.scid  }
0xb6: {  	s30 =	sshll.u32 s29, $0xD;
	s31 =	sshrl.u32 s29, $0x2  }
0xb7: {  	s2 =	sand.u32 $0x4000, s30;
	s1 =	sand.u32 $0x1, s29;
	s0 =	sadd.s32 s31, s28  }
0xb8: {  	s1 =	sor.u32 s2, s1;
	s0 =	sshll.u32 s0, $0x11  }
0xb9: {  	s0 =	sor.u32 s0, s1  }
0xba: {  	s0 =	sadd.s32 $0x8F2B, s0  }
0xbb: {  	[sflag:s0] =	ssyncadd.remote.s32 $0x1  }
0xbc: {  	_ =	sfence.sel $0xFFFF  }
0xbd: {  	[dreg:$0x0] =	wrdreg $0xFFFFFFFF;
	(pc) =	sbr.abs _section_cstart, $3  }
0xbe: {  	[dreg:$0x1] =	wrdreg $0xFFFFFFFF  }
0xbf: {  	_ =	task.clear_ibuf [dreg:s5], $0x2FFFF;
	_ =	strace $0x9FFFFFFF  }
0xc0: {  	(tm) =	ssettm $0x7FFFFFFF  }
0xc1: {  	_ =	shalt  }
tec
execute0_lowered:
.L_overlay_start_1:
0x0: {  	(tag) =	ssettag $0x1  }
0x1: {  	s1 =	stileid.u32  }
0x2: {  	p0 =	sgt.u32 s1, $0xC  }
.Ltmp0:
0x3: {  	_ = 	snop;
	(pc) =	sbr.rel @p0 .LBB2_4-.Ltmp0, $4  }
0x4: {  	s4 =	rddreg [dreg:$0x0]  }
0x5: {  	s2 =	rddreg [dreg:$0x1];
	s3 =	simm.s32 $0x0  }
0x6: {  	[smem:$0x7FF] =	sst s3  }
0x7: {  	s0 =	rddreg [dreg:$0x2];
	_ =	strace $0x80000047  }
0x8: {  	s5 =	sadd.s32 $0x800, s4;
	s24 =	sshll.u32 s1, $0x1  }
0x9: {  	s6 =	sadd.s32 s5, s24  }
0xa: {  	[tilespmem:s3], [sflag:$0x1] =	stream.linear.gather [hbm4b:s6+s3], $0xE0, $0x38;
	[tilespmem:$0x180] =	vst v63  }
0xb: {  	s25 =	simm.s32 $0x100;
	v0 =	vimm.f32 $1.500000000e+01;
	vm0 =	vcmask $0x300;
	s26 =	simm.s32 $0x2;
	s5 =	sadd.s32 $0x34, s5  }
0xc: {  	vm6 =	vcmask $0x704;
	v0 =	vsel vm0, $0x0, v0;
	[tilespmem:s25], [sflag:$0x2] =	stream.linear.gather [hbm4b:s5+s3], $0x10, $0x38;
	[tilespmem:$0x180] =	vst v63  }
0xd: {  	vm5 =	vcmask $0xB08;
	v0 =	vsel vm6, $0x3F800000, v0;
	_ =	swait.ge [sflag:s26], $0x10  }
0xe: {  	vm4 =	vcmask $0xF0C;
	v0 =	vsel vm5, $0x40000000, v0;
	[sflag:s26] =	ssyncset.done $0x0  }
0xf: {  	vm3 =	vcmask $0x1310;
	v0 =	vsel vm4, $0x40400000, v0;
	[sflag:s26] =	ssyncadd.s32 $0xFFFFFFF0  }
0x10: {  	vm2 =	vcmask $0x1714;
	v0 =	vsel vm3, $0x40800000, v0;
	v1 =	vld [tilespmem:$0x100]  }
0x11: {  	vm0 =	vcmask $0x1B18;
	v0 =	vsel vm2, $0x40A00000, v0  }
0x12: {  	vm1 =	vcmask $0x1F1C;
	v0 =	vsel vm0, $0x40C00000, v0  }
0x13: {  	vm7 =	vcmask $0x2320;
	v0 =	vsel vm1, $0x40E00000, v0  }
0x14: {  	v0 =	vsel vm7, $0x41000000, v0;
	vm7 =	vcmask $0x2724  }
0x15: {  	v0 =	vsel vm7, $0x41100000, v0;
	vm7 =	vcmask $0x2B28;
	(erf) = vrcp.f32 v1  }
0x16: {  	v0 =	vsel vm7, $0x41200000, v0;
	vm7 =	vcmask $0x2F2C  }
0x17: {  	s28 =	scvt.s32.f32 s3;
	v0 =	vsel vm7, $0x41300000, v0;
	vm7 =	vcmask $0x3330  }
0x18: {  	v0 =	vsel vm7, $0x41400000, v0;
	vm7 =	vcmask $0x3734  }
0x19: {  	s3 =	smul.f32 $1.600000000e+01, s28;
	v0 =	vsel vm7, $0x41500000, v0;
	vm7 =	vcmask $0x3B38  }
0x1a: {  	v1 =	vsel vm7, $0x41600000, v0  }
0x1b: {  	v0 =	vadd.f32 s3, v1;
	_ =	sdelay $0x1  }
0x1c: {  	v0 =	vmul.f32 $9.950000040e-01, v0  }
0x1d: {  	s29 =	simm.s32 $0x1;
	v2 =	vpop (erf)  }
0x1e: {  	v3 =	vadd.f32 $-9.900000000e+01, v0;
	_ =	swait.ge [sflag:s29], $0xE0  }
0x1f: {  	[sflag:s29] =	ssyncset.done $0x0  }
0x20: {  	s30 =	simm.s32 $0x8;
	v0 =	vmul.f32 $-2.500000000e-01, v2;
	v2 =	vmul.f32 v3, v3;
	[sflag:s29] =	ssyncadd.s32 $0xFFFFFF20  }
0x21: {  	v3 =	vld [tilespmem:s30+$0xFFFFFFFC]  }
0x22: {  	v2 =	vmul.f32 v2, v0;
	v4 =	vld [tilespmem:s30+$0xFFFFFFF8]  }
0x23: {  	s31 =	simm.s32 $0x1;
	v5 =	vld [tilespmem:s30+$0x5]  }
0x24: {  	s5 =	scvt.s32.f32 s31;
	v8 =	vld [tilespmem:s30+$0x6];
	v6 =	vbroadcast v2, $0x0  }
0x25: {  	v9 =	vld [tilespmem:s30+$0xFFFFFFF9];
	v7 =	vbroadcast v2, $0x1;
	v10 =	vbroadcast v2, $0x2  }
0x26: {  	s5 =	smul.f32 $1.600000000e+01, s5;
	v12 =	vld [tilespmem:s30+$0xFFFFFFFA];
	v11 =	vbroadcast v2, $0x3;
	v13 =	vbroadcast v2, $0x4  }
0x27: {  	v17 =	vimm.f32 $-Inf;
	v14 =	vld [tilespmem:s30+$0xFFFFFFFB];
	v15 =	vbroadcast v2, $0x5;
	v16 =	vbroadcast v2, $0x6  }
0x28: {  	v25 =	vadd.f32 s5, v1;
	v18 =	vld [tilespmem:s30+$0x7];
	v19 =	vbroadcast v2, $0x7;
	v20 =	vbroadcast v2, $0x8  }
0x29: {  	v21 =	vbroadcast v2, $0x9;
	v22 =	vbroadcast v2, $0xA;
	v4 =	vadd.f32 v4, v6;
	v6 =	vld [tilespmem:s30+$0xFFFFFFFD]  }
0x2a: {  	v23 =	vbroadcast v2, $0xB;
	v24 =	vbroadcast v2, $0xC;
	v7 =	vadd.f32 v9, v7;
	v9 =	vld [tilespmem:s30+$0xFFFFFFFE]  }
0x2b: {  	v10 =	vadd.f32 v12, v10;
	v12 =	vld [tilespmem:s30+$0xFFFFFFFF];
	v3 =	vadd.f32 v3, v13;
	v4 =	vmax.f32 v17, v4  }
0x2c: {  	v13 =	vbroadcast v2, $0xE;
	v4 =	vmax.f32 v4, v7;
	v7 =	vadd.f32 v14, v11;
	v11 =	vld [tilespmem:s30+$0x0]  }
0x2d: {  	v17 =	vbroadcast v2, $0xD;
	v2 =	vbroadcast v2, $0xF;
	v4 =	vmax.f32 v4, v10;
	v10 =	vld [tilespmem:s30+$0x1]  }
0x2e: {  	v14 =	vmul.f32 $9.950000040e-01, v25;
	v4 =	vmax.f32 v4, v7;
	v6 =	vadd.f32 v6, v15;
	v15 =	vld [tilespmem:s30+$0x2]  }
0x2f: {  	v17 =	vadd.f32 v5, v17;
	v3 =	vmax.f32 v4, v3;
	v4 =	vadd.f32 v9, v16;
	v9 =	vld [tilespmem:s30+$0x3]  }
0x30: {  	v14 =	vadd.f32 $-9.900000000e+01, v14;
	v12 =	vadd.f32 v12, v19;
	v16 =	vld [tilespmem:s30+$0x4];
	v3 =	vmax.f32 v3, v6  }
0x31: {  	s3 =	simm.s32 $0x18;
	v7 =	vadd.f32 v18, v2;
	v3 =	vmax.f32 v3, v4;
	v4 =	vadd.f32 v11, v20  }
0x32: {  	v5 =	vld [tilespmem:s3+$0x7];
	v2 =	vmul.f32 v14, v14;
	v3 =	vmax.f32 v3, v12;
	v10 =	vadd.f32 v10, v21  }
0x33: {  	v18 =	vadd.f32 v8, v13;
	v11 =	vld [tilespmem:s3+$0xFFFFFFF8];
	v12 =	vmax.f32 v3, v4;
	v14 =	vadd.f32 v15, v22  }
0x34: {  	v6 =	vld [tilespmem:s3+$0xFFFFFFFC];
	v3 =	vmul.f32 v2, v0;
	v8 =	vmax.f32 v12, v10;
	v9 =	vadd.f32 v9, v23  }
0x35: {  	v4 =	vld [tilespmem:s3+$0x5];
	v15 =	vadd.f32 v16, v24;
	v8 =	vmax.f32 v8, v14  }
0x36: {  	v2 =	vld [tilespmem:s3+$0x6];
	v16 =	vbroadcast v3, $0x0;
	v13 =	vbroadcast v3, $0x1;
	v8 =	vmax.f32 v8, v9  }
0x37: {  	v14 =	vld [tilespmem:s3+$0xFFFFFFF9];
	v12 =	vbroadcast v3, $0x2;
	v10 =	vbroadcast v3, $0x3;
	v8 =	vmax.f32 v8, v15  }
0x38: {  	v9 =	vbroadcast v3, $0x5;
	v15 =	vadd.f32 v11, v16;
	v16 =	vld [tilespmem:s3+$0xFFFFFFFA];
	v19 =	vmax.f32 v8, v17  }
0x39: {  	s4 =	simm.s32 $0x2;
	s2 =	sadd.s32 s2, s24;
	s5 =	simm.s32 $0x28;
	v11 =	vbroadcast v3, $0x4;
	v17 =	vld [tilespmem:s3+$0xFFFFFFFB];
	v8 =	vbroadcast v3, $0x6;
	v18 =	vmax.f32 v19, v18  }
.LBB2_2:
0x3a: {  	s6 =	scvt.s32.f32 s4;
	v19 =	vld [tilespmem:s5+$0xFFFFFFFC];
	p0 =	sne.s32 s4, $0xB;
	s4 =	sadd.s32 $0x1, s4;
	v20 =	vbroadcast v3, $0x7;
	v21 =	vbroadcast v3, $0x8;
	v7 =	vmax.f32 v18, v7  }
0x3b: {  	v22 =	vbroadcast v3, $0x9;
	v23 =	vbroadcast v3, $0xA;
	v18 =	vld [tilespmem:s3+$0xFFFFFFFD]  }
0x3c: {  	v24 =	vbroadcast v3, $0xB;
	v25 =	vbroadcast v3, $0xC;
	s6 =	smul.f32 $1.600000000e+01, s6;
	v13 =	vadd.f32 v14, v13;
	v14 =	vld [tilespmem:s3+$0xFFFFFFFE]  }
0x3d: {  	v7 =	vmax.f32 v7, v15;
	v12 =	vadd.f32 v16, v12;
	v15 =	vld [tilespmem:s3+$0xFFFFFFFF];
	v16 =	vbroadcast v3, $0xD  }
0x3e: {  	v26 =	vadd.f32 s6, v1;
	v7 =	vmax.f32 v7, v13;
	v10 =	vadd.f32 v17, v10;
	v13 =	vld [tilespmem:s3+$0x0]  }
0x3f: {  	v11 =	vadd.f32 v6, v11;
	v17 =	vbroadcast v3, $0xE;
	v7 =	vmax.f32 v7, v12;
	v12 =	vld [tilespmem:s3+$0x1];
	v6 =	vmovc v19  }
0x40: {  	v19 =	vmul.f32 $9.950000040e-01, v26;
	v7 =	vmax.f32 v7, v10;
	v9 =	vadd.f32 v18, v9;
	v10 =	vld [tilespmem:s3+$0x2]  }
0x41: {  	v3 =	vbroadcast v3, $0xF;
	v7 =	vmax.f32 v7, v11;
	v8 =	vadd.f32 v14, v8;
	v11 =	vld [tilespmem:s3+$0x3]  }
0x42: {  	v14 =	vadd.f32 $-9.900000000e+01, v19;
	v7 =	vmax.f32 v7, v9;
	v9 =	vadd.f32 v15, v20;
	v15 =	vld [tilespmem:s3+$0x4];
	s3 =	smov.u32 s5  }
0x43: {  	v8 =	vmax.f32 v7, v8;
	v13 =	vadd.f32 v13, v21;
	v7 =	vadd.f32 v5, v3  }
0x44: {  	v3 =	vmul.f32 v14, v14;
	v5 =	vmax.f32 v8, v9;
	v8 =	vadd.f32 v12, v22  }
0x45: {  	v18 =	vadd.f32 v2, v17;
	v9 =	vld [tilespmem:s5+$0xFFFFFFF8];
	v5 =	vmax.f32 v5, v13;
	v10 =	vadd.f32 v10, v23  }
0x46: {  	v3 =	vmul.f32 v3, v0;
	v19 =	vld [tilespmem:s5+$0x5];
	v5 =	vmax.f32 v5, v8;
	v8 =	vadd.f32 v11, v24  }
.Ltmp1:
0x47: {  	v4 =	vadd.f32 v4, v16;
	v2 =	vld [tilespmem:s5+$0x6];
	v10 =	vmax.f32 v5, v10;
	v11 =	vadd.f32 v15, v25;
	(pc) =	sbr.rel @p0 .LBB2_2-.Ltmp1, $4  }
0x48: {  	v15 =	vbroadcast v3, $0x0;
	v13 =	vbroadcast v3, $0x1;
	v5 =	vld [tilespmem:s5+$0x7];
	v8 =	vmax.f32 v10, v8  }
0x49: {  	v12 =	vbroadcast v3, $0x2;
	v10 =	vbroadcast v3, $0x3;
	v14 =	vld [tilespmem:s5+$0xFFFFFFF9];
	v8 =	vmax.f32 v8, v11  }
0x4a: {  	v11 =	vbroadcast v3, $0x4;
	v15 =	vadd.f32 v9, v15;
	v16 =	vld [tilespmem:s5+$0xFFFFFFFA];
	v20 =	vmax.f32 v8, v4  }
0x4b: {  	v9 =	vbroadcast v3, $0x5;
	v8 =	vbroadcast v3, $0x6;
	s5 =	sadd.s32 $0x10, s5;
	v17 =	vld [tilespmem:s3+$0xFFFFFFFB];
	v18 =	vmax.f32 v20, v18;
	v4 =	vmovc v19  }
0x4c: {  	v1 =	vbroadcast v3, $0x7;
	v19 =	vbroadcast v3, $0x8  }
0x4d: {  	v20 =	vbroadcast v3, $0x9;
	v21 =	vbroadcast v3, $0xA  }
0x4e: {  	v7 =	vmax.f32 v18, v7;
	v57 =	vld [tilespmem:s3+$0xFFFFFFFD];
	v22 =	vbroadcast v3, $0xB;
	v23 =	vbroadcast v3, $0xC  }
0x4f: {  	v58 =	vld [tilespmem:s3+$0xFFFFFFFE];
	v60 =	vimm.f32 $8.471363280e+03;
	v6 =	vadd.f32 v6, v11;
	v13 =	vadd.f32 v14, v13  }
0x50: {  	v59 =	vld [tilespmem:s3+$0xFFFFFFFF];
	v27 =	vbroadcast v3, $0xD;
	v7 =	vmax.f32 v7, v15;
	v12 =	vadd.f32 v16, v12  }
0x51: {  	v61 =	vld [tilespmem:s3+$0x0];
	v62 =	vsel vm6, $0x46073E0C, v60;
	v7 =	vmax.f32 v7, v13;
	v10 =	vadd.f32 v17, v10  }
0x52: {  	v63 =	vld [tilespmem:s3+$0x1];
	v33 =	vimm.f32 $1.000000000e+04;
	v17 =	vsel vm5, $0x460A2690, v62;
	v7 =	vmax.f32 v7, v12  }
0x53: {  	v18 =	vld [tilespmem:s3+$0x2];
	v9 =	vadd.f32 v57, v9;
	v25 =	vsel vm4, $0x460D16FF, v17;
	v7 =	vmax.f32 v7, v10  }
0x54: {  	v26 =	vld [tilespmem:s3+$0x3];
	v24 =	vadd.f32 v58, v8;
	v8 =	vsel vm3, $0x46100F5D, v25;
	v6 =	vmax.f32 v7, v6  }
0x55: {  	v28 =	vld [tilespmem:s3+$0x4];
	v1 =	vadd.f32 v59, v1;
	v29 =	vsel vm2, $0x46130FA4, v8;
	v6 =	vmax.f32 v6, v9  }
0x56: {  	v30 =	vadd.f32 v61, v19;
	v31 =	vsel vm0, $0x461617D6, v29;
	v6 =	vmax.f32 v6, v24  }
0x57: {  	v32 =	vadd.f32 v63, v20;
	v1 =	vmax.f32 v6, v1;
	v6 =	vsel vm1, $0x461927F7, v31  }
0x58: {  	v34 =	vadd.f32 v18, v21;
	v1 =	vmax.f32 v1, v30;
	v6 =	vcombine.low v6, v33  }
0x59: {  	v35 =	vbroadcast v3, $0xE;
	v37 =	vld [tilespmem:$0xC0];
	v36 =	vadd.f32 v26, v22;
	v1 =	vmax.f32 v1, v32  }
0x5a: {  	v39 =	vld [tilespmem:$0xC1];
	v38 =	vadd.f32 v28, v23;
	v1 =	vmax.f32 v1, v34;
	v0 =	vmul.f32 v6, v0  }
0x5b: {  	v40 =	vbroadcast v3, $0xF;
	v41 =	vld [tilespmem:$0xC2];
	v4 =	vadd.f32 v4, v27;
	v1 =	vmax.f32 v1, v36  }
0x5c: {  	v43 =	vld [tilespmem:$0xC3];
	v2 =	vadd.f32 v2, v35;
	v1 =	vmax.f32 v1, v38;
	v42 =	vbroadcast v0, $0x0  }
0x5d: {  	v45 =	vld [tilespmem:$0xC4];
	v3 =	vadd.f32 v5, v40;
	v44 =	vbroadcast v0, $0x1;
	v1 =	vmax.f32 v1, v4  }
0x5e: {  	v48 =	vld [tilespmem:$0xC5];
	v47 =	vbroadcast v0, $0x2;
	v1 =	vmax.f32 v1, v2;
	v46 =	vadd.f32 v37, v42  }
0x5f: {  	v51 =	vld [tilespmem:$0xC6];
	v50 =	vbroadcast v0, $0x3;
	v49 =	vadd.f32 v39, v44;
	v1 =	vmax.f32 v1, v3  }
0x60: {  	v54 =	vld [tilespmem:$0xC7];
	v53 =	vbroadcast v0, $0x4;
	v52 =	vadd.f32 v41, v47;
	v1 =	vmax.f32 v1, v46  }
0x61: {  	v57 =	vld [tilespmem:$0xC8];
	v56 =	vbroadcast v0, $0x5;
	v55 =	vadd.f32 v43, v50;
	v1 =	vmax.f32 v1, v49  }
0x62: {  	v59 =	vbroadcast v0, $0x6;
	v58 =	vadd.f32 v45, v53;
	v1 =	vmax.f32 v1, v52  }
0x63: {  	v61 =	vbroadcast v0, $0x7;
	v60 =	vadd.f32 v48, v56;
	v1 =	vmax.f32 v1, v55  }
0x64: {  	v0 =	vbroadcast v0, $0x8;
	v62 =	vadd.f32 v51, v59;
	v1 =	vmax.f32 v1, v58  }
0x65: {  	v63 =	vadd.f32 v54, v61;
	v1 =	vmax.f32 v1, v60  }
0x66: {  	v0 =	vadd.f32 v57, v0;
	v1 =	vmax.f32 v1, v62  }
0x67: {  	v1 =	vmax.f32 v1, v63  }
0x68: {  	v0 =	vmax.f32 v1, v0  }
0x69: {  	s30 =	simm.s32 $0x0;
	s4 =	simm.s32 $0x100;
	s31 =	simm.s32 $0x3;
	[tilespmem:$0x100] =	vst v0  }
0x6a: {  	[hbm4b:s2+s30] =	stream.linear.scatter [tilespmem:s4], [sflag:$0x3], $0x10, $0x38;
	[tilespmem:$0x180] =	vst v63  }
0x6b: {  	_ =	swait.ge [sflag:s31], $0x10  }
0x6c: {  	[sflag:s31] =	ssyncset.done $0x0  }
0x6d: {  	[sflag:s31] =	ssyncadd.s32 $0xFFFFFFF0  }
.LBB2_4:
0x6e: {  	_ =	sfence.sel $0x180000  }
0x6f: {  	[bflag:$0x0] =	sbarrier.arrive $0xFFFF  }
0x70: {  	p0 =	sne.s32 s1, $0x0;
	_ =	strace $0x90000047  }
0x71: {  	s0 =	sadd.s32 @!p0 $0x100000, s0;
	[bflag:$0x2] =	sbarrier.arrive $0xFFFF  }
0x72: {  	[sflag:s0] =	ssyncadd.tile.s32 @!p0 $0x1;
	_ =	shalt  }
.Lfunc_end2:
_tile_overlayer_lowered:
.L_overlay_start_2:
0x73: {  	(tag) =	ssettag $0x2  }
0x74: {  	s0 =	rddreg [dreg:$0x0];
	s2 =	stileid.u32  }
0x75: {  	s1 =	rddreg [dreg:$0x1];
	p0 =	sne.s32 s2, $0x0  }
0x76: {  	s3 =	rddreg [dreg:$0x2];
	[bflag:$0x3] =	sbarrier.arrive $0xFFFF;
	s2 =	simm.s32 @!p0 $0x1C03  }
0x77: {  	[timem:s3], [sflag:s2] =	dma.local @!p0 [hbm:s0], s1  }
0x78: {  	s0 =	simm.s32 @!p0 $0x3  }
0x79: {  	_ =	swait.ge @!p0 [sflag:s0], s1  }
0x7a: {  	s1 =	ssub.s32 @!p0 $0x0, s1;
	[sflag:s0] =	ssyncset.done @!p0 $0x0  }
0x7b: {  	[sflag:s0] =	ssyncadd.s32 @!p0 s1  }
0x7c: {  	[bflag:$0x3] =	sbarrier.arrive $0xFFFF  }
0x7d: {  	_ =	shalt  }

</sc_bundles>
